<compile_context>
chip_gen: v7x
topology: tpu7x:2x2x1
jax: 0.10.2.dev20260603
libtpu: 0.0.44.dev20260713+nightly
codegen_flags: <defaults>
</compile_context>

<pallas_src>
import jax
import jax.numpy as jnp
from jax import lax
from jax.experimental import pallas as pl
from jax.experimental.pallas import tpu as pltpu
from jax.experimental.pallas import tpu_sc as plsc

_N = 10000
_D = 128
_E = 320000
_NC = 2
_NS = 16
_NW = _NC * _NS
_K = 64
_EPT = 10112
_EPL = _E - 31 * _EPT
_CH = _EPT // _K
_CHL = _EPL // _K
_NPT = 632
_NPL = _N - (_NS - 1) * _NPT
_BM = 2000


def _gemm_body(x_ref, w_ref, o_ref, z_ref):
    o_ref[...] = lax.dot_general(
        x_ref[...], w_ref[...], (((1,), (1,)), ((), ())),
        preferred_element_type=jnp.float32)
    z_ref[...] = jnp.zeros_like(z_ref)


_NZ = 640


def _add_body(p_ref, o_ref):
    o_ref[...] = p_ref[0] + p_ref[1]


def _seg_body(e_hbm, h_hbm, z_hbm, out_hbm,
              eidx, rows, sems, ssems, acc):
    c = lax.axis_index("c")
    s = lax.axis_index("s")
    w = c * _NS + s
    nch = jnp.where(w < _NW - 1, _CH, _CHL)

    @pl.when(w < _NW - 1)
    def _():
        pltpu.sync_copy(e_hbm.at[:, pl.ds(w * _EPT, _EPT)], eidx)

    @pl.when(w == _NW - 1)
    def _():
        pltpu.sync_copy(e_hbm.at[:, pl.ds(w * _EPT, _EPL)],
                        eidx.at[:, pl.ds(0, _EPL)])
    @pl.when(s < _NS - 1)
    def _():
        pltpu.sync_copy(z_hbm.at[pl.ds(0, _NPT)],
                        acc.at[pl.ds(s * _NPT, _NPT)])

    @pl.when(s == _NS - 1)
    def _():
        pltpu.sync_copy(z_hbm.at[pl.ds(0, _NPL)],
                        acc.at[pl.ds(s * _NPT, _NPL)])

    plsc.subcore_barrier()

    def drain(ref_sems, b):
        pltpu.make_async_copy(h_hbm.at[pl.ds(0, _K)], rows.at[b],
                              ref_sems.at[b]).wait()

    def fire_gather(j, b):
        pltpu.async_copy(h_hbm.at[eidx.at[0, pl.ds(j * _K, _K)]],
                         rows.at[b], sems.at[b])

    fire_gather(0, 0)
    fire_gather(1, 1)

    def chunk(j, carry):
        b, bm1 = carry

        @pl.when(j > 0)
        def _():
            drain(ssems, bm1)

        @pl.when(j + 2 < nch)
        def _():
            fire_gather(j + 2, bm1)

        drain(sems, b)
        pltpu.async_copy(rows.at[b],
                         acc.at[eidx.at[1, pl.ds(j * _K, _K)]],
                         ssems.at[b], add=True)
        return (jnp.where(b == 2, 0, b + 1), b)

    lax.fori_loop(0, nch, chunk, (jnp.int32(0), jnp.int32(2)))
    drain(ssems, lax.rem(nch - 1, 3))

    plsc.subcore_barrier()

    @pl.when(s < _NS - 1)
    def _():
        pltpu.sync_copy(acc.at[pl.ds(s * _NPT, _NPT)],
                        out_hbm.at[c, pl.ds(s * _NPT, _NPT)])

    @pl.when(s == _NS - 1)
    def _():
        pltpu.sync_copy(acc.at[pl.ds(s * _NPT, _NPL)],
                        out_hbm.at[c, pl.ds(s * _NPT, _NPL)])


def kernel(x, edge_index, weight):
    n, d = x.shape

    h, zeros = pl.pallas_call(
        _gemm_body,
        grid=(n // _BM,),
        in_specs=[pl.BlockSpec((_BM, d), lambda i: (i, 0)),
                  pl.BlockSpec(weight.shape, lambda i: (0, 0))],
        out_specs=[pl.BlockSpec((_BM, d), lambda i: (i, 0)),
                   pl.BlockSpec((_NZ, d), lambda i: (0, 0))],
        out_shape=[jax.ShapeDtypeStruct((n, d), jnp.float32),
                   jax.ShapeDtypeStruct((_NZ, d), jnp.float32)],
    )(x, weight)

    mesh = plsc.VectorSubcoreMesh(core_axis_name="c", subcore_axis_name="s")
    seg = pl.kernel(
        _seg_body,
        out_type=jax.ShapeDtypeStruct((_NC, n, d), jnp.float32),
        mesh=mesh,
        scratch_types=[
            pltpu.VMEM((2, _EPT), jnp.int32),
            pltpu.VMEM((3, _K, _D), jnp.float32),
            pltpu.SemaphoreType.DMA((3,)),
            pltpu.SemaphoreType.DMA((3,)),
            pltpu.VMEM_SHARED((_N, _D), jnp.float32),
        ],
    )
    parts = seg(edge_index, h, zeros)

    out = pl.pallas_call(
        _add_body,
        grid=(n // _BM,),
        in_specs=[pl.BlockSpec((_NC, _BM, d), lambda i: (0, i, 0))],
        out_specs=pl.BlockSpec((_BM, d), lambda i: (i, 0)),
        out_shape=jax.ShapeDtypeStruct((n, d), jnp.float32),
    )(parts)
    return out

# --- scband reference (transcript-rebuilt; emitter-appended) ---
"""Pipeline reference for scband-fused-gcnlayer-8744553415191 (READ-ONLY COPY).

The authoritative reference and input builder live on the scoring server;
editing this copy changes nothing except your own understanding.
"""

import jax, jax.numpy as jnp
import numpy as np

N_NODES = 10000
N_EDGES = 320000
FEAT_DIM = 128
EMBED_DIM = 128


def setup_inputs(seed: int = 0) -> dict:
    key = jax.random.key(seed)
    k1, k2, k3 = jax.random.split(key, 3)
    x = jax.random.normal(k1, (N_NODES, FEAT_DIM), dtype=jnp.float32)
    edge_index = jax.random.randint(k2, (2, N_EDGES), 0, N_NODES, dtype=jnp.int32)
    # xavier_uniform init for weight [embed_dim, feat_dim], matching torch.nn.init.xavier_uniform_
    a = float(np.sqrt(6.0 / (FEAT_DIM + EMBED_DIM)))
    weight = jax.random.uniform(k3, (EMBED_DIM, FEAT_DIM), dtype=jnp.float32, minval=-a, maxval=a)
    return {"x": x, "edge_index": edge_index, "weight": weight}


def reference(x, edge_index, weight):
    # FusedGCNLayer.forward: fusedGeMMSpMM(adj, x, weight, ...)
    # = SpMM(adj, GeMM(x, weight^T)) i.e. out = A @ (X @ W^T)
    # Dense GeMM first (weight is [embed_dim, feat_dim], so x @ weight.T -> [N, embed_dim])
    h = jnp.dot(x, weight.T)
    # SpMM with adjacency A given in COO form (edge_index[0]=src, edge_index[1]=dst), values=1
    src = edge_index[0]
    dst = edge_index[1]
    msgs = jnp.take(h, src, axis=0)
    out = jax.ops.segment_sum(msgs, dst, num_segments=N_NODES)
    return out

if __name__ == "__main__":
    import jax
    _d = setup_inputs()
    print(jax.jit(kernel)(*tuple(_d.values())))

</pallas_src>

<mosaic_0001>
#map = affine_map<(d0, d1) -> (0, 0)>
#map1 = affine_map<(d0, d1) -> (0, 0, 0)>
module attributes {stable_mosaic.version = 14 : i64} {
  func.func @_seg_body(%arg0: i32, %arg1: i32, %arg2: memref<2x320000xi32, #tpu.memory_space<hbm>>, %arg3: memref<10000x128xf32, #tpu.memory_space<hbm>>, %arg4: memref<640x128xf32, #tpu.memory_space<hbm>>, %arg5: memref<2x10000x128xf32, #tpu.memory_space<hbm>>, %arg6: memref<2x10112xi32, #tpu.memory_space<vmem>>, %arg7: memref<3x64x128xf32, #tpu.memory_space<vmem>>, %arg8: memref<3x!tpu.dma_semaphore, #tpu.memory_space<semaphore_mem>>, %arg9: memref<3x!tpu.dma_semaphore, #tpu.memory_space<semaphore_mem>>, %arg10: memref<10000x128xf32, #tpu.memory_space<vmem_shared>>) attributes {dimension_semantics = [#tpu.dimension_semantics<core_parallel>, #tpu.dimension_semantics<subcore_parallel>], iteration_bounds = array<i64: 2, 16>, scalar_prefetch = 0 : i64, scratch_operands = 5 : i64, tpu.core_type = #tpu.core_type<sc_vector_subcore>, window_params = [{transform_indices = #map}, {transform_indices = #map}, {transform_indices = #map}, {transform_indices = #map1}]} {
    %mul3A = arith.constant 16 : i32
    %mul3A_0 = arith.muli %arg0, %mul3A : i32
    %add3A = arith.addi %mul3A_0, %arg1 : i32
    %lt3A = arith.constant 31 : i32
    %lt3A_1 = arith.cmpi slt, %add3A, %lt3A : i32
    %jit3A = arith.constant 158 : i32
    %jit3A_2 = arith.constant 102 : i32
    %select_n3A = arith.select %lt3A_1, %jit3A, %jit3A_2 : i32
    %lt3A_3 = arith.constant 31 : i32
    %lt3A_4 = arith.cmpi slt, %add3A, %lt3A_3 : i32
    %convert_element_type3A = arith.extui %lt3A_4 : i1 to i32
    %cond3A = arith.constant 0 : i32
    %cond3A_5 = arith.cmpi ne, %convert_element_type3A, %cond3A : i32
    scf.if %cond3A_5 {
      %mul3A_89 = arith.constant 10112 : i32
      %mul3A_90 = arith.muli %add3A, %mul3A_89 : i32
      "tpu.region"() ({
        %run_scoped3A = tpu.sem_alloc : memref<!tpu.dma_semaphore, #tpu.memory_space<semaphore_mem>>
        %dma_start3A_91 = arith.constant 0 : i32
        %dma_start3A_92 = tpu.memref_slice %arg2[%dma_start3A_91, %mul3A_90] : memref<2x320000xi32, #tpu.memory_space<hbm>> -> memref<2x10112xi32, #tpu.memory_space<hbm>>
        %dma_start3A_93 = arith.constant 0 : i32
        %dma_start3A_94 = tpu.memref_slice %arg2[%dma_start3A_93, %mul3A_90] : memref<2x320000xi32, #tpu.memory_space<hbm>> -> memref<2x10112xi32, #tpu.memory_space<hbm>>
        tpu.enqueue_dma source(%dma_start3A_94 : memref<2x10112xi32, #tpu.memory_space<hbm>>) target(%arg6 : memref<2x10112xi32, #tpu.memory_space<vmem>>) target_semaphore(%run_scoped3A : memref<!tpu.dma_semaphore, #tpu.memory_space<semaphore_mem>>)
        %dma_wait3A_95 = arith.constant 0 : i32
        %dma_wait3A_96 = tpu.memref_slice %arg2[%dma_wait3A_95, %mul3A_90] : memref<2x320000xi32, #tpu.memory_space<hbm>> -> memref<2x10112xi32, #tpu.memory_space<hbm>>
        %dma_wait3A_97 = arith.constant 0 : i32
        %dma_wait3A_98 = tpu.memref_slice %arg2[%dma_wait3A_97, %mul3A_90] : memref<2x320000xi32, #tpu.memory_space<hbm>> -> memref<2x10112xi32, #tpu.memory_space<hbm>>
        tpu.wait_dma2 semaphore(%run_scoped3A : memref<!tpu.dma_semaphore, #tpu.memory_space<semaphore_mem>>) src(%dma_wait3A_98 : memref<2x10112xi32, #tpu.memory_space<hbm>>) dst(%arg6 : memref<2x10112xi32, #tpu.memory_space<vmem>>)
        tpu.yield
      }) : () -> ()
    } else {
    }
    %eq3A = arith.constant 31 : i32
    %eq3A_6 = arith.cmpi eq, %add3A, %eq3A : i32
    %convert_element_type3A_7 = arith.extui %eq3A_6 : i1 to i32
    %cond3A_8 = arith.constant 0 : i32
    %cond3A_9 = arith.cmpi ne, %convert_element_type3A_7, %cond3A_8 : i32
    scf.if %cond3A_9 {
      %mul3A_89 = arith.constant 10112 : i32
      %mul3A_90 = arith.muli %add3A, %mul3A_89 : i32
      "tpu.region"() ({
        %run_scoped3A = tpu.sem_alloc : memref<!tpu.dma_semaphore, #tpu.memory_space<semaphore_mem>>
        %dma_start3A_91 = arith.constant 0 : i32
        %dma_start3A_92 = arith.constant 0 : i32
        %dma_start3A_93 = tpu.memref_slice %arg6[%dma_start3A_91, %dma_start3A_92] : memref<2x10112xi32, #tpu.memory_space<vmem>> -> memref<2x6528xi32, #tpu.memory_space<vmem>>
        %dma_start3A_94 = arith.constant 0 : i32
        %dma_start3A_95 = tpu.memref_slice %arg2[%dma_start3A_94, %mul3A_90] : memref<2x320000xi32, #tpu.memory_space<hbm>> -> memref<2x6528xi32, #tpu.memory_space<hbm>>
        %dma_start3A_96 = arith.constant 0 : i32
        %dma_start3A_97 = arith.constant 0 : i32
        %dma_start3A_98 = tpu.memref_slice %arg6[%dma_start3A_96, %dma_start3A_97] : memref<2x10112xi32, #tpu.memory_space<vmem>> -> memref<2x6528xi32, #tpu.memory_space<vmem>>
        %dma_start3A_99 = arith.constant 0 : i32
        %dma_start3A_100 = tpu.memref_slice %arg2[%dma_start3A_99, %mul3A_90] : memref<2x320000xi32, #tpu.memory_space<hbm>> -> memref<2x6528xi32, #tpu.memory_space<hbm>>
        tpu.enqueue_dma source(%dma_start3A_100 : memref<2x6528xi32, #tpu.memory_space<hbm>>) target(%dma_start3A_98 : memref<2x6528xi32, #tpu.memory_space<vmem>>) target_semaphore(%run_scoped3A : memref<!tpu.dma_semaphore, #tpu.memory_space<semaphore_mem>>)
        %dma_wait3A_101 = arith.constant 0 : i32
        %dma_wait3A_102 = arith.constant 0 : i32
        %dma_wait3A_103 = tpu.memref_slice %arg6[%dma_wait3A_101, %dma_wait3A_102] : memref<2x10112xi32, #tpu.memory_space<vmem>> -> memref<2x6528xi32, #tpu.memory_space<vmem>>
        %dma_wait3A_104 = arith.constant 0 : i32
        %dma_wait3A_105 = tpu.memref_slice %arg2[%dma_wait3A_104, %mul3A_90] : memref<2x320000xi32, #tpu.memory_space<hbm>> -> memref<2x6528xi32, #tpu.memory_space<hbm>>
        %dma_wait3A_106 = arith.constant 0 : i32
        %dma_wait3A_107 = arith.constant 0 : i32
        %dma_wait3A_108 = tpu.memref_slice %arg6[%dma_wait3A_106, %dma_wait3A_107] : memref<2x10112xi32, #tpu.memory_space<vmem>> -> memref<2x6528xi32, #tpu.memory_space<vmem>>
        %dma_wait3A_109 = arith.constant 0 : i32
        %dma_wait3A_110 = tpu.memref_slice %arg2[%dma_wait3A_109, %mul3A_90] : memref<2x320000xi32, #tpu.memory_space<hbm>> -> memref<2x6528xi32, #tpu.memory_space<hbm>>
        tpu.wait_dma2 semaphore(%run_scoped3A : memref<!tpu.dma_semaphore, #tpu.memory_space<semaphore_mem>>) src(%dma_wait3A_110 : memref<2x6528xi32, #tpu.memory_space<hbm>>) dst(%dma_wait3A_108 : memref<2x6528xi32, #tpu.memory_space<vmem>>)
        tpu.yield
      }) : () -> ()
    } else {
    }
    %lt3A_10 = arith.constant 15 : i32
    %lt3A_11 = arith.cmpi slt, %arg1, %lt3A_10 : i32
    %convert_element_type3A_12 = arith.extui %lt3A_11 : i1 to i32
    %cond3A_13 = arith.constant 0 : i32
    %cond3A_14 = arith.cmpi ne, %convert_element_type3A_12, %cond3A_13 : i32
    scf.if %cond3A_14 {
      %mul3A_89 = arith.constant 632 : i32
      %mul3A_90 = arith.muli %arg1, %mul3A_89 : i32
      "tpu.region"() ({
        %run_scoped3A = tpu.sem_alloc : memref<!tpu.dma_semaphore, #tpu.memory_space<semaphore_mem>>
        %dma_start3A_91 = arith.constant 0 : i32
        %dma_start3A_92 = tpu.memref_slice %arg10[%mul3A_90, %dma_start3A_91] : memref<10000x128xf32, #tpu.memory_space<vmem_shared>> -> memref<632x128xf32, #tpu.memory_space<vmem_shared>>
        %dma_start3A_93 = arith.constant 0 : i32
        %dma_start3A_94 = arith.constant 0 : i32
        %dma_start3A_95 = tpu.memref_slice %arg4[%dma_start3A_93, %dma_start3A_94] : memref<640x128xf32, #tpu.memory_space<hbm>> -> memref<632x128xf32, #tpu.memory_space<hbm>>
        tpu.enqueue_dma source(%dma_start3A_95 : memref<632x128xf32, #tpu.memory_space<hbm>>) target(%dma_start3A_92 : memref<632x128xf32, #tpu.memory_space<vmem_shared>>) target_semaphore(%run_scoped3A : memref<!tpu.dma_semaphore, #tpu.memory_space<semaphore_mem>>)
        %dma_wait3A_96 = arith.constant 0 : i32
        %dma_wait3A_97 = tpu.memref_slice %arg10[%mul3A_90, %dma_wait3A_96] : memref<10000x128xf32, #tpu.memory_space<vmem_shared>> -> memref<632x128xf32, #tpu.memory_space<vmem_shared>>
        %dma_wait3A_98 = arith.constant 0 : i32
        %dma_wait3A_99 = arith.constant 0 : i32
        %dma_wait3A_100 = tpu.memref_slice %arg4[%dma_wait3A_98, %dma_wait3A_99] : memref<640x128xf32, #tpu.memory_space<hbm>> -> memref<632x128xf32, #tpu.memory_space<hbm>>
        tpu.wait_dma2 semaphore(%run_scoped3A : memref<!tpu.dma_semaphore, #tpu.memory_space<semaphore_mem>>) src(%dma_wait3A_100 : memref<632x128xf32, #tpu.memory_space<hbm>>) dst(%dma_wait3A_97 : memref<632x128xf32, #tpu.memory_space<vmem_shared>>)
        tpu.yield
      }) : () -> ()
    } else {
    }
    %eq3A_15 = arith.constant 15 : i32
    %eq3A_16 = arith.cmpi eq, %arg1, %eq3A_15 : i32
    %convert_element_type3A_17 = arith.extui %eq3A_16 : i1 to i32
    %cond3A_18 = arith.constant 0 : i32
    %cond3A_19 = arith.cmpi ne, %convert_element_type3A_17, %cond3A_18 : i32
    scf.if %cond3A_19 {
      %mul3A_89 = arith.constant 632 : i32
      %mul3A_90 = arith.muli %arg1, %mul3A_89 : i32
      "tpu.region"() ({
        %run_scoped3A = tpu.sem_alloc : memref<!tpu.dma_semaphore, #tpu.memory_space<semaphore_mem>>
        %dma_start3A_91 = arith.constant 0 : i32
        %dma_start3A_92 = tpu.memref_slice %arg10[%mul3A_90, %dma_start3A_91] : memref<10000x128xf32, #tpu.memory_space<vmem_shared>> -> memref<520x128xf32, #tpu.memory_space<vmem_shared>>
        %dma_start3A_93 = arith.constant 0 : i32
        %dma_start3A_94 = arith.constant 0 : i32
        %dma_start3A_95 = tpu.memref_slice %arg4[%dma_start3A_93, %dma_start3A_94] : memref<640x128xf32, #tpu.memory_space<hbm>> -> memref<520x128xf32, #tpu.memory_space<hbm>>
        tpu.enqueue_dma source(%dma_start3A_95 : memref<520x128xf32, #tpu.memory_space<hbm>>) target(%dma_start3A_92 : memref<520x128xf32, #tpu.memory_space<vmem_shared>>) target_semaphore(%run_scoped3A : memref<!tpu.dma_semaphore, #tpu.memory_space<semaphore_mem>>)
        %dma_wait3A_96 = arith.constant 0 : i32
        %dma_wait3A_97 = tpu.memref_slice %arg10[%mul3A_90, %dma_wait3A_96] : memref<10000x128xf32, #tpu.memory_space<vmem_shared>> -> memref<520x128xf32, #tpu.memory_space<vmem_shared>>
        %dma_wait3A_98 = arith.constant 0 : i32
        %dma_wait3A_99 = arith.constant 0 : i32
        %dma_wait3A_100 = tpu.memref_slice %arg4[%dma_wait3A_98, %dma_wait3A_99] : memref<640x128xf32, #tpu.memory_space<hbm>> -> memref<520x128xf32, #tpu.memory_space<hbm>>
        tpu.wait_dma2 semaphore(%run_scoped3A : memref<!tpu.dma_semaphore, #tpu.memory_space<semaphore_mem>>) src(%dma_wait3A_100 : memref<520x128xf32, #tpu.memory_space<hbm>>) dst(%dma_wait3A_97 : memref<520x128xf32, #tpu.memory_space<vmem_shared>>)
        tpu.yield
      }) : () -> ()
    } else {
    }
    %barrier3A = arith.constant 0 : index
    tpu.barrier barrier_id(%barrier3A)
    %dma_start3A = arith.constant 0 : i32
    %dma_start3A_20 = arith.constant 0 : i32
    %dma_start3A_21 = arith.constant 0 : i32
    %dma_start3A_22 = arith.constant 0 : i32
    %dma_start3A_23 = arith.constant 0 : i32
    %dma_start3A_24 = tpu.memref_slice %arg7[%dma_start3A_20, %dma_start3A_22, %dma_start3A_23] : memref<3x64x128xf32, #tpu.memory_space<vmem>> -> memref<1x64x128xf32, #tpu.memory_space<vmem>>
    %dma_start3A_25 = tpu.memref_squeeze %dma_start3A_24 : memref<1x64x128xf32, #tpu.memory_space<vmem>> -> memref<64x128xf32, #tpu.memory_space<vmem>>
    %dma_start3A_26 = arith.constant 0 : i32
    %dma_start3A_27 = tpu.memref_slice %arg6[%dma_start3A, %dma_start3A_26] : memref<2x10112xi32, #tpu.memory_space<vmem>> -> memref<1x64xi32, #tpu.memory_space<vmem>>
    %dma_start3A_28 = tpu.memref_squeeze %dma_start3A_27 : memref<1x64xi32, #tpu.memory_space<vmem>> -> memref<64xi32, #tpu.memory_space<vmem>>
    %dma_start3A_29 = arith.constant 0 : i32
    %dma_start3A_30 = arith.constant 0 : i32
    %dma_start3A_31 = tpu.memref_slice %arg3[%dma_start3A_29, %dma_start3A_30] : memref<10000x128xf32, #tpu.memory_space<hbm>> -> memref<10000x128xf32, #tpu.memory_space<hbm>>
    %dma_start3A_32 = tpu.memref_slice %arg8[%dma_start3A_21] : memref<3x!tpu.dma_semaphore, #tpu.memory_space<semaphore_mem>> -> memref<1x!tpu.dma_semaphore, #tpu.memory_space<semaphore_mem>>
    %dma_start3A_33 = tpu.memref_squeeze %dma_start3A_32 : memref<1x!tpu.dma_semaphore, #tpu.memory_space<semaphore_mem>> -> memref<!tpu.dma_semaphore, #tpu.memory_space<semaphore_mem>>
    tpu.enqueue_indirect_dma source(%dma_start3A_31 : memref<10000x128xf32, #tpu.memory_space<hbm>>) target(%dma_start3A_25 : memref<64x128xf32, #tpu.memory_space<vmem>>) offsets(%dma_start3A_28 : memref<64xi32, #tpu.memory_space<vmem>>) semaphore(%dma_start3A_33 : memref<!tpu.dma_semaphore, #tpu.memory_space<semaphore_mem>>)
    %dma_start3A_34 = arith.constant 0 : i32
    %dma_start3A_35 = arith.constant 1 : i32
    %dma_start3A_36 = arith.constant 1 : i32
    %dma_start3A_37 = arith.constant 0 : i32
    %dma_start3A_38 = arith.constant 0 : i32
    %dma_start3A_39 = tpu.memref_slice %arg7[%dma_start3A_35, %dma_start3A_37, %dma_start3A_38] : memref<3x64x128xf32, #tpu.memory_space<vmem>> -> memref<1x64x128xf32, #tpu.memory_space<vmem>>
    %dma_start3A_40 = tpu.memref_squeeze %dma_start3A_39 : memref<1x64x128xf32, #tpu.memory_space<vmem>> -> memref<64x128xf32, #tpu.memory_space<vmem>>
    %dma_start3A_41 = arith.constant 64 : i32
    %dma_start3A_42 = tpu.memref_slice %arg6[%dma_start3A_34, %dma_start3A_41] : memref<2x10112xi32, #tpu.memory_space<vmem>> -> memref<1x64xi32, #tpu.memory_space<vmem>>
    %dma_start3A_43 = tpu.memref_squeeze %dma_start3A_42 : memref<1x64xi32, #tpu.memory_space<vmem>> -> memref<64xi32, #tpu.memory_space<vmem>>
    %dma_start3A_44 = arith.constant 0 : i32
    %dma_start3A_45 = arith.constant 0 : i32
    %dma_start3A_46 = tpu.memref_slice %arg3[%dma_start3A_44, %dma_start3A_45] : memref<10000x128xf32, #tpu.memory_space<hbm>> -> memref<10000x128xf32, #tpu.memory_space<hbm>>
    %dma_start3A_47 = tpu.memref_slice %arg8[%dma_start3A_36] : memref<3x!tpu.dma_semaphore, #tpu.memory_space<semaphore_mem>> -> memref<1x!tpu.dma_semaphore, #tpu.memory_space<semaphore_mem>>
    %dma_start3A_48 = tpu.memref_squeeze %dma_start3A_47 : memref<1x!tpu.dma_semaphore, #tpu.memory_space<semaphore_mem>> -> memref<!tpu.dma_semaphore, #tpu.memory_space<semaphore_mem>>
    tpu.enqueue_indirect_dma source(%dma_start3A_46 : memref<10000x128xf32, #tpu.memory_space<hbm>>) target(%dma_start3A_40 : memref<64x128xf32, #tpu.memory_space<vmem>>) offsets(%dma_start3A_43 : memref<64xi32, #tpu.memory_space<vmem>>) semaphore(%dma_start3A_48 : memref<!tpu.dma_semaphore, #tpu.memory_space<semaphore_mem>>)
    %while3A = arith.constant 0 : i32
    %while3A_49 = arith.constant 0 : i32
    %while3A_50 = arith.constant 2 : i32
    %while3A_51 = arith.subi %select_n3A, %while3A : i32
    %while3A_52 = arith.addi %while3A, %while3A_51 : i32
    %while3A_53 = arith.constant 1 : i32
    %while3A_54 = arith.divsi %while3A_51, %while3A_53 : i32
    %while3A_55 = arith.muli %while3A_54, %while3A_53 : i32
    %while3A_56 = arith.addi %while3A, %while3A_55 : i32
    %while3A_57 = arith.constant 1 : i32
    %while3A_58:2 = scf.for %while3A_89 = %while3A to %while3A_56 step %while3A_57 iter_args(%while3A_90 = %while3A_49, %while3A_91 = %while3A_50) -> (i32, i32)  : i32 {
      %gt3A = arith.constant 0 : i32
      %gt3A_92 = arith.cmpi sgt, %while3A_89, %gt3A : i32
      %convert_element_type3A_93 = arith.extui %gt3A_92 : i1 to i32
      %cond3A_94 = arith.constant 0 : i32
      %cond3A_95 = arith.cmpi ne, %convert_element_type3A_93, %cond3A_94 : i32
      scf.if %cond3A_95 {
        %dma_wait3A_138 = arith.constant 0 : i32
        %dma_wait3A_139 = arith.constant 0 : i32
        %dma_wait3A_140 = tpu.memref_slice %arg7[%while3A_91, %dma_wait3A_138, %dma_wait3A_139] : memref<3x64x128xf32, #tpu.memory_space<vmem>> -> memref<1x64x128xf32, #tpu.memory_space<vmem>>
        %dma_wait3A_141 = tpu.memref_squeeze %dma_wait3A_140 : memref<1x64x128xf32, #tpu.memory_space<vmem>> -> memref<64x128xf32, #tpu.memory_space<vmem>>
        %dma_wait3A_142 = arith.constant 0 : i32
        %dma_wait3A_143 = arith.constant 0 : i32
        %dma_wait3A_144 = tpu.memref_slice %arg3[%dma_wait3A_142, %dma_wait3A_143] : memref<10000x128xf32, #tpu.memory_space<hbm>> -> memref<64x128xf32, #tpu.memory_space<hbm>>
        %dma_wait3A_145 = tpu.memref_slice %arg9[%while3A_91] : memref<3x!tpu.dma_semaphore, #tpu.memory_space<semaphore_mem>> -> memref<1x!tpu.dma_semaphore, #tpu.memory_space<semaphore_mem>>
        %dma_wait3A_146 = tpu.memref_squeeze %dma_wait3A_145 : memref<1x!tpu.dma_semaphore, #tpu.memory_space<semaphore_mem>> -> memref<!tpu.dma_semaphore, #tpu.memory_space<semaphore_mem>>
        %dma_wait3A_147 = arith.constant 0 : i32
        %dma_wait3A_148 = arith.constant 0 : i32
        %dma_wait3A_149 = tpu.memref_slice %arg7[%while3A_91, %dma_wait3A_147, %dma_wait3A_148] : memref<3x64x128xf32, #tpu.memory_space<vmem>> -> memref<1x64x128xf32, #tpu.memory_space<vmem>>
        %dma_wait3A_150 = tpu.memref_squeeze %dma_wait3A_149 : memref<1x64x128xf32, #tpu.memory_space<vmem>> -> memref<64x128xf32, #tpu.memory_space<vmem>>
        %dma_wait3A_151 = arith.constant 0 : i32
        %dma_wait3A_152 = arith.constant 0 : i32
        %dma_wait3A_153 = tpu.memref_slice %arg3[%dma_wait3A_151, %dma_wait3A_152] : memref<10000x128xf32, #tpu.memory_space<hbm>> -> memref<64x128xf32, #tpu.memory_space<hbm>>
        tpu.wait_dma2 semaphore(%dma_wait3A_146 : memref<!tpu.dma_semaphore, #tpu.memory_space<semaphore_mem>>) src(%dma_wait3A_153 : memref<64x128xf32, #tpu.memory_space<hbm>>) dst(%dma_wait3A_150 : memref<64x128xf32, #tpu.memory_space<vmem>>)
      } else {
      }
      %add3A_96 = arith.constant 2 : i32
      %add3A_97 = arith.addi %while3A_89, %add3A_96 : i32
      %lt3A_98 = arith.cmpi slt, %add3A_97, %select_n3A : i32
      %convert_element_type3A_99 = arith.extui %lt3A_98 : i1 to i32
      %cond3A_100 = arith.constant 0 : i32
      %cond3A_101 = arith.cmpi ne, %convert_element_type3A_99, %cond3A_100 : i32
      scf.if %cond3A_101 {
        %add3A_138 = arith.constant 2 : i32
        %add3A_139 = arith.addi %while3A_89, %add3A_138 : i32
        %mul3A_140 = arith.constant 64 : i32
        %mul3A_141 = arith.muli %add3A_139, %mul3A_140 : i32
        %dma_start3A_142 = arith.constant 0 : i32
        %dma_start3A_143 = arith.constant 0 : i32
        %dma_start3A_144 = arith.constant 0 : i32
        %dma_start3A_145 = tpu.memref_slice %arg7[%while3A_91, %dma_start3A_143, %dma_start3A_144] : memref<3x64x128xf32, #tpu.memory_space<vmem>> -> memref<1x64x128xf32, #tpu.memory_space<vmem>>
        %dma_start3A_146 = tpu.memref_squeeze %dma_start3A_145 : memref<1x64x128xf32, #tpu.memory_space<vmem>> -> memref<64x128xf32, #tpu.memory_space<vmem>>
        %dma_start3A_147 = tpu.memref_slice %arg6[%dma_start3A_142, %mul3A_141] : memref<2x10112xi32, #tpu.memory_space<vmem>> -> memref<1x64xi32, #tpu.memory_space<vmem>>
        %dma_start3A_148 = tpu.memref_squeeze %dma_start3A_147 : memref<1x64xi32, #tpu.memory_space<vmem>> -> memref<64xi32, #tpu.memory_space<vmem>>
        %dma_start3A_149 = arith.constant 0 : i32
        %dma_start3A_150 = arith.constant 0 : i32
        %dma_start3A_151 = tpu.memref_slice %arg3[%dma_start3A_149, %dma_start3A_150] : memref<10000x128xf32, #tpu.memory_space<hbm>> -> memref<10000x128xf32, #tpu.memory_space<hbm>>
        %dma_start3A_152 = tpu.memref_slice %arg8[%while3A_91] : memref<3x!tpu.dma_semaphore, #tpu.memory_space<semaphore_mem>> -> memref<1x!tpu.dma_semaphore, #tpu.memory_space<semaphore_mem>>
        %dma_start3A_153 = tpu.memref_squeeze %dma_start3A_152 : memref<1x!tpu.dma_semaphore, #tpu.memory_space<semaphore_mem>> -> memref<!tpu.dma_semaphore, #tpu.memory_space<semaphore_mem>>
        tpu.enqueue_indirect_dma source(%dma_start3A_151 : memref<10000x128xf32, #tpu.memory_space<hbm>>) target(%dma_start3A_146 : memref<64x128xf32, #tpu.memory_space<vmem>>) offsets(%dma_start3A_148 : memref<64xi32, #tpu.memory_space<vmem>>) semaphore(%dma_start3A_153 : memref<!tpu.dma_semaphore, #tpu.memory_space<semaphore_mem>>)
      } else {
      }
      %dma_wait3A_102 = arith.constant 0 : i32
      %dma_wait3A_103 = arith.constant 0 : i32
      %dma_wait3A_104 = tpu.memref_slice %arg7[%while3A_90, %dma_wait3A_102, %dma_wait3A_103] : memref<3x64x128xf32, #tpu.memory_space<vmem>> -> memref<1x64x128xf32, #tpu.memory_space<vmem>>
      %dma_wait3A_105 = tpu.memref_squeeze %dma_wait3A_104 : memref<1x64x128xf32, #tpu.memory_space<vmem>> -> memref<64x128xf32, #tpu.memory_space<vmem>>
      %dma_wait3A_106 = arith.constant 0 : i32
      %dma_wait3A_107 = arith.constant 0 : i32
      %dma_wait3A_108 = tpu.memref_slice %arg3[%dma_wait3A_106, %dma_wait3A_107] : memref<10000x128xf32, #tpu.memory_space<hbm>> -> memref<64x128xf32, #tpu.memory_space<hbm>>
      %dma_wait3A_109 = tpu.memref_slice %arg8[%while3A_90] : memref<3x!tpu.dma_semaphore, #tpu.memory_space<semaphore_mem>> -> memref<1x!tpu.dma_semaphore, #tpu.memory_space<semaphore_mem>>
      %dma_wait3A_110 = tpu.memref_squeeze %dma_wait3A_109 : memref<1x!tpu.dma_semaphore, #tpu.memory_space<semaphore_mem>> -> memref<!tpu.dma_semaphore, #tpu.memory_space<semaphore_mem>>
      %dma_wait3A_111 = arith.constant 0 : i32
      %dma_wait3A_112 = arith.constant 0 : i32
      %dma_wait3A_113 = tpu.memref_slice %arg7[%while3A_90, %dma_wait3A_111, %dma_wait3A_112] : memref<3x64x128xf32, #tpu.memory_space<vmem>> -> memref<1x64x128xf32, #tpu.memory_space<vmem>>
      %dma_wait3A_114 = tpu.memref_squeeze %dma_wait3A_113 : memref<1x64x128xf32, #tpu.memory_space<vmem>> -> memref<64x128xf32, #tpu.memory_space<vmem>>
      %dma_wait3A_115 = arith.constant 0 : i32
      %dma_wait3A_116 = arith.constant 0 : i32
      %dma_wait3A_117 = tpu.memref_slice %arg3[%dma_wait3A_115, %dma_wait3A_116] : memref<10000x128xf32, #tpu.memory_space<hbm>> -> memref<64x128xf32, #tpu.memory_space<hbm>>
      tpu.wait_dma2 semaphore(%dma_wait3A_110 : memref<!tpu.dma_semaphore, #tpu.memory_space<semaphore_mem>>) src(%dma_wait3A_117 : memref<64x128xf32, #tpu.memory_space<hbm>>) dst(%dma_wait3A_114 : memref<64x128xf32, #tpu.memory_space<vmem>>)
      %mul3A_118 = arith.constant 64 : i32
      %mul3A_119 = arith.muli %while3A_89, %mul3A_118 : i32
      %dma_start3A_120 = arith.constant 1 : i32
      %dma_start3A_121 = arith.constant 0 : i32
      %dma_start3A_122 = arith.constant 0 : i32
      %dma_start3A_123 = tpu.memref_slice %arg7[%while3A_90, %dma_start3A_121, %dma_start3A_122] : memref<3x64x128xf32, #tpu.memory_space<vmem>> -> memref<1x64x128xf32, #tpu.memory_space<vmem>>
      %dma_start3A_124 = tpu.memref_squeeze %dma_start3A_123 : memref<1x64x128xf32, #tpu.memory_space<vmem>> -> memref<64x128xf32, #tpu.memory_space<vmem>>
      %dma_start3A_125 = tpu.memref_slice %arg6[%dma_start3A_120, %mul3A_119] : memref<2x10112xi32, #tpu.memory_space<vmem>> -> memref<1x64xi32, #tpu.memory_space<vmem>>
      %dma_start3A_126 = tpu.memref_squeeze %dma_start3A_125 : memref<1x64xi32, #tpu.memory_space<vmem>> -> memref<64xi32, #tpu.memory_space<vmem>>
      %dma_start3A_127 = arith.constant 0 : i32
      %dma_start3A_128 = arith.constant 0 : i32
      %dma_start3A_129 = tpu.memref_slice %arg10[%dma_start3A_127, %dma_start3A_128] : memref<10000x128xf32, #tpu.memory_space<vmem_shared>> -> memref<10000x128xf32, #tpu.memory_space<vmem_shared>>
      %dma_start3A_130 = tpu.memref_slice %arg9[%while3A_90] : memref<3x!tpu.dma_semaphore, #tpu.memory_space<semaphore_mem>> -> memref<1x!tpu.dma_semaphore, #tpu.memory_space<semaphore_mem>>
      %dma_start3A_131 = tpu.memref_squeeze %dma_start3A_130 : memref<1x!tpu.dma_semaphore, #tpu.memory_space<semaphore_mem>> -> memref<!tpu.dma_semaphore, #tpu.memory_space<semaphore_mem>>
      tpu.enqueue_indirect_dma source(%dma_start3A_124 : memref<64x128xf32, #tpu.memory_space<vmem>>) target(%dma_start3A_129 : memref<10000x128xf32, #tpu.memory_space<vmem_shared>>) offsets(%dma_start3A_126 : memref<64xi32, #tpu.memory_space<vmem>>) semaphore(%dma_start3A_131 : memref<!tpu.dma_semaphore, #tpu.memory_space<semaphore_mem>>) {add = true}
      %eq3A_132 = arith.constant 2 : i32
      %eq3A_133 = arith.cmpi eq, %while3A_90, %eq3A_132 : i32
      %add3A_134 = arith.constant 1 : i32
      %add3A_135 = arith.addi %while3A_90, %add3A_134 : i32
      %jit3A_136 = arith.constant 0 : i32
      %select_n3A_137 = arith.select %eq3A_133, %jit3A_136, %add3A_135 : i32
      scf.yield %select_n3A_137, %while3A_90 : i32, i32
    }
    %while3A_59 = arith.constant 1 : i32
    %while3A_60:2 = scf.for %while3A_89 = %while3A_56 to %while3A_52 step %while3A_59 iter_args(%while3A_90 = %while3A_58#0, %while3A_91 = %while3A_58#1) -> (i32, i32)  : i32 {
      %gt3A = arith.constant 0 : i32
      %gt3A_92 = arith.cmpi sgt, %while3A_89, %gt3A : i32
      %convert_element_type3A_93 = arith.extui %gt3A_92 : i1 to i32
      %cond3A_94 = arith.constant 0 : i32
      %cond3A_95 = arith.cmpi ne, %convert_element_type3A_93, %cond3A_94 : i32
      scf.if %cond3A_95 {
        %dma_wait3A_138 = arith.constant 0 : i32
        %dma_wait3A_139 = arith.constant 0 : i32
        %dma_wait3A_140 = tpu.memref_slice %arg7[%while3A_91, %dma_wait3A_138, %dma_wait3A_139] : memref<3x64x128xf32, #tpu.memory_space<vmem>> -> memref<1x64x128xf32, #tpu.memory_space<vmem>>
        %dma_wait3A_141 = tpu.memref_squeeze %dma_wait3A_140 : memref<1x64x128xf32, #tpu.memory_space<vmem>> -> memref<64x128xf32, #tpu.memory_space<vmem>>
        %dma_wait3A_142 = arith.constant 0 : i32
        %dma_wait3A_143 = arith.constant 0 : i32
        %dma_wait3A_144 = tpu.memref_slice %arg3[%dma_wait3A_142, %dma_wait3A_143] : memref<10000x128xf32, #tpu.memory_space<hbm>> -> memref<64x128xf32, #tpu.memory_space<hbm>>
        %dma_wait3A_145 = tpu.memref_slice %arg9[%while3A_91] : memref<3x!tpu.dma_semaphore, #tpu.memory_space<semaphore_mem>> -> memref<1x!tpu.dma_semaphore, #tpu.memory_space<semaphore_mem>>
        %dma_wait3A_146 = tpu.memref_squeeze %dma_wait3A_145 : memref<1x!tpu.dma_semaphore, #tpu.memory_space<semaphore_mem>> -> memref<!tpu.dma_semaphore, #tpu.memory_space<semaphore_mem>>
        %dma_wait3A_147 = arith.constant 0 : i32
        %dma_wait3A_148 = arith.constant 0 : i32
        %dma_wait3A_149 = tpu.memref_slice %arg7[%while3A_91, %dma_wait3A_147, %dma_wait3A_148] : memref<3x64x128xf32, #tpu.memory_space<vmem>> -> memref<1x64x128xf32, #tpu.memory_space<vmem>>
        %dma_wait3A_150 = tpu.memref_squeeze %dma_wait3A_149 : memref<1x64x128xf32, #tpu.memory_space<vmem>> -> memref<64x128xf32, #tpu.memory_space<vmem>>
        %dma_wait3A_151 = arith.constant 0 : i32
        %dma_wait3A_152 = arith.constant 0 : i32
        %dma_wait3A_153 = tpu.memref_slice %arg3[%dma_wait3A_151, %dma_wait3A_152] : memref<10000x128xf32, #tpu.memory_space<hbm>> -> memref<64x128xf32, #tpu.memory_space<hbm>>
        tpu.wait_dma2 semaphore(%dma_wait3A_146 : memref<!tpu.dma_semaphore, #tpu.memory_space<semaphore_mem>>) src(%dma_wait3A_153 : memref<64x128xf32, #tpu.memory_space<hbm>>) dst(%dma_wait3A_150 : memref<64x128xf32, #tpu.memory_space<vmem>>)
      } else {
      }
      %add3A_96 = arith.constant 2 : i32
      %add3A_97 = arith.addi %while3A_89, %add3A_96 : i32
      %lt3A_98 = arith.cmpi slt, %add3A_97, %select_n3A : i32
      %convert_element_type3A_99 = arith.extui %lt3A_98 : i1 to i32
      %cond3A_100 = arith.constant 0 : i32
      %cond3A_101 = arith.cmpi ne, %convert_element_type3A_99, %cond3A_100 : i32
      scf.if %cond3A_101 {
        %add3A_138 = arith.constant 2 : i32
        %add3A_139 = arith.addi %while3A_89, %add3A_138 : i32
        %mul3A_140 = arith.constant 64 : i32
        %mul3A_141 = arith.muli %add3A_139, %mul3A_140 : i32
        %dma_start3A_142 = arith.constant 0 : i32
        %dma_start3A_143 = arith.constant 0 : i32
        %dma_start3A_144 = arith.constant 0 : i32
        %dma_start3A_145 = tpu.memref_slice %arg7[%while3A_91, %dma_start3A_143, %dma_start3A_144] : memref<3x64x128xf32, #tpu.memory_space<vmem>> -> memref<1x64x128xf32, #tpu.memory_space<vmem>>
        %dma_start3A_146 = tpu.memref_squeeze %dma_start3A_145 : memref<1x64x128xf32, #tpu.memory_space<vmem>> -> memref<64x128xf32, #tpu.memory_space<vmem>>
        %dma_start3A_147 = tpu.memref_slice %arg6[%dma_start3A_142, %mul3A_141] : memref<2x10112xi32, #tpu.memory_space<vmem>> -> memref<1x64xi32, #tpu.memory_space<vmem>>
        %dma_start3A_148 = tpu.memref_squeeze %dma_start3A_147 : memref<1x64xi32, #tpu.memory_space<vmem>> -> memref<64xi32, #tpu.memory_space<vmem>>
        %dma_start3A_149 = arith.constant 0 : i32
        %dma_start3A_150 = arith.constant 0 : i32
        %dma_start3A_151 = tpu.memref_slice %arg3[%dma_start3A_149, %dma_start3A_150] : memref<10000x128xf32, #tpu.memory_space<hbm>> -> memref<10000x128xf32, #tpu.memory_space<hbm>>
        %dma_start3A_152 = tpu.memref_slice %arg8[%while3A_91] : memref<3x!tpu.dma_semaphore, #tpu.memory_space<semaphore_mem>> -> memref<1x!tpu.dma_semaphore, #tpu.memory_space<semaphore_mem>>
        %dma_start3A_153 = tpu.memref_squeeze %dma_start3A_152 : memref<1x!tpu.dma_semaphore, #tpu.memory_space<semaphore_mem>> -> memref<!tpu.dma_semaphore, #tpu.memory_space<semaphore_mem>>
        tpu.enqueue_indirect_dma source(%dma_start3A_151 : memref<10000x128xf32, #tpu.memory_space<hbm>>) target(%dma_start3A_146 : memref<64x128xf32, #tpu.memory_space<vmem>>) offsets(%dma_start3A_148 : memref<64xi32, #tpu.memory_space<vmem>>) semaphore(%dma_start3A_153 : memref<!tpu.dma_semaphore, #tpu.memory_space<semaphore_mem>>)
      } else {
      }
      %dma_wait3A_102 = arith.constant 0 : i32
      %dma_wait3A_103 = arith.constant 0 : i32
      %dma_wait3A_104 = tpu.memref_slice %arg7[%while3A_90, %dma_wait3A_102, %dma_wait3A_103] : memref<3x64x128xf32, #tpu.memory_space<vmem>> -> memref<1x64x128xf32, #tpu.memory_space<vmem>>
      %dma_wait3A_105 = tpu.memref_squeeze %dma_wait3A_104 : memref<1x64x128xf32, #tpu.memory_space<vmem>> -> memref<64x128xf32, #tpu.memory_space<vmem>>
      %dma_wait3A_106 = arith.constant 0 : i32
      %dma_wait3A_107 = arith.constant 0 : i32
      %dma_wait3A_108 = tpu.memref_slice %arg3[%dma_wait3A_106, %dma_wait3A_107] : memref<10000x128xf32, #tpu.memory_space<hbm>> -> memref<64x128xf32, #tpu.memory_space<hbm>>
      %dma_wait3A_109 = tpu.memref_slice %arg8[%while3A_90] : memref<3x!tpu.dma_semaphore, #tpu.memory_space<semaphore_mem>> -> memref<1x!tpu.dma_semaphore, #tpu.memory_space<semaphore_mem>>
      %dma_wait3A_110 = tpu.memref_squeeze %dma_wait3A_109 : memref<1x!tpu.dma_semaphore, #tpu.memory_space<semaphore_mem>> -> memref<!tpu.dma_semaphore, #tpu.memory_space<semaphore_mem>>
      %dma_wait3A_111 = arith.constant 0 : i32
      %dma_wait3A_112 = arith.constant 0 : i32
      %dma_wait3A_113 = tpu.memref_slice %arg7[%while3A_90, %dma_wait3A_111, %dma_wait3A_112] : memref<3x64x128xf32, #tpu.memory_space<vmem>> -> memref<1x64x128xf32, #tpu.memory_space<vmem>>
      %dma_wait3A_114 = tpu.memref_squeeze %dma_wait3A_113 : memref<1x64x128xf32, #tpu.memory_space<vmem>> -> memref<64x128xf32, #tpu.memory_space<vmem>>
      %dma_wait3A_115 = arith.constant 0 : i32
      %dma_wait3A_116 = arith.constant 0 : i32
      %dma_wait3A_117 = tpu.memref_slice %arg3[%dma_wait3A_115, %dma_wait3A_116] : memref<10000x128xf32, #tpu.memory_space<hbm>> -> memref<64x128xf32, #tpu.memory_space<hbm>>
      tpu.wait_dma2 semaphore(%dma_wait3A_110 : memref<!tpu.dma_semaphore, #tpu.memory_space<semaphore_mem>>) src(%dma_wait3A_117 : memref<64x128xf32, #tpu.memory_space<hbm>>) dst(%dma_wait3A_114 : memref<64x128xf32, #tpu.memory_space<vmem>>)
      %mul3A_118 = arith.constant 64 : i32
      %mul3A_119 = arith.muli %while3A_89, %mul3A_118 : i32
      %dma_start3A_120 = arith.constant 1 : i32
      %dma_start3A_121 = arith.constant 0 : i32
      %dma_start3A_122 = arith.constant 0 : i32
      %dma_start3A_123 = tpu.memref_slice %arg7[%while3A_90, %dma_start3A_121, %dma_start3A_122] : memref<3x64x128xf32, #tpu.memory_space<vmem>> -> memref<1x64x128xf32, #tpu.memory_space<vmem>>
      %dma_start3A_124 = tpu.memref_squeeze %dma_start3A_123 : memref<1x64x128xf32, #tpu.memory_space<vmem>> -> memref<64x128xf32, #tpu.memory_space<vmem>>
      %dma_start3A_125 = tpu.memref_slice %arg6[%dma_start3A_120, %mul3A_119] : memref<2x10112xi32, #tpu.memory_space<vmem>> -> memref<1x64xi32, #tpu.memory_space<vmem>>
      %dma_start3A_126 = tpu.memref_squeeze %dma_start3A_125 : memref<1x64xi32, #tpu.memory_space<vmem>> -> memref<64xi32, #tpu.memory_space<vmem>>
      %dma_start3A_127 = arith.constant 0 : i32
      %dma_start3A_128 = arith.constant 0 : i32
      %dma_start3A_129 = tpu.memref_slice %arg10[%dma_start3A_127, %dma_start3A_128] : memref<10000x128xf32, #tpu.memory_space<vmem_shared>> -> memref<10000x128xf32, #tpu.memory_space<vmem_shared>>
      %dma_start3A_130 = tpu.memref_slice %arg9[%while3A_90] : memref<3x!tpu.dma_semaphore, #tpu.memory_space<semaphore_mem>> -> memref<1x!tpu.dma_semaphore, #tpu.memory_space<semaphore_mem>>
      %dma_start3A_131 = tpu.memref_squeeze %dma_start3A_130 : memref<1x!tpu.dma_semaphore, #tpu.memory_space<semaphore_mem>> -> memref<!tpu.dma_semaphore, #tpu.memory_space<semaphore_mem>>
      tpu.enqueue_indirect_dma source(%dma_start3A_124 : memref<64x128xf32, #tpu.memory_space<vmem>>) target(%dma_start3A_129 : memref<10000x128xf32, #tpu.memory_space<vmem_shared>>) offsets(%dma_start3A_126 : memref<64xi32, #tpu.memory_space<vmem>>) semaphore(%dma_start3A_131 : memref<!tpu.dma_semaphore, #tpu.memory_space<semaphore_mem>>) {add = true}
      %eq3A_132 = arith.constant 2 : i32
      %eq3A_133 = arith.cmpi eq, %while3A_90, %eq3A_132 : i32
      %add3A_134 = arith.constant 1 : i32
      %add3A_135 = arith.addi %while3A_90, %add3A_134 : i32
      %jit3A_136 = arith.constant 0 : i32
      %select_n3A_137 = arith.select %eq3A_133, %jit3A_136, %add3A_135 : i32
      scf.yield %select_n3A_137, %while3A_90 : i32, i32
    }
    %sub3A = arith.constant 1 : i32
    %sub3A_61 = arith.subi %select_n3A, %sub3A : i32
    %rem3A = arith.constant 3 : i32
    %rem3A_62 = arith.remsi %sub3A_61, %rem3A : i32
    %dma_wait3A = arith.constant 0 : i32
    %dma_wait3A_63 = arith.constant 0 : i32
    %dma_wait3A_64 = tpu.memref_slice %arg7[%rem3A_62, %dma_wait3A, %dma_wait3A_63] : memref<3x64x128xf32, #tpu.memory_space<vmem>> -> memref<1x64x128xf32, #tpu.memory_space<vmem>>
    %dma_wait3A_65 = tpu.memref_squeeze %dma_wait3A_64 : memref<1x64x128xf32, #tpu.memory_space<vmem>> -> memref<64x128xf32, #tpu.memory_space<vmem>>
    %dma_wait3A_66 = arith.constant 0 : i32
    %dma_wait3A_67 = arith.constant 0 : i32
    %dma_wait3A_68 = tpu.memref_slice %arg3[%dma_wait3A_66, %dma_wait3A_67] : memref<10000x128xf32, #tpu.memory_space<hbm>> -> memref<64x128xf32, #tpu.memory_space<hbm>>
    %dma_wait3A_69 = tpu.memref_slice %arg9[%rem3A_62] : memref<3x!tpu.dma_semaphore, #tpu.memory_space<semaphore_mem>> -> memref<1x!tpu.dma_semaphore, #tpu.memory_space<semaphore_mem>>
    %dma_wait3A_70 = tpu.memref_squeeze %dma_wait3A_69 : memref<1x!tpu.dma_semaphore, #tpu.memory_space<semaphore_mem>> -> memref<!tpu.dma_semaphore, #tpu.memory_space<semaphore_mem>>
    %dma_wait3A_71 = arith.constant 0 : i32
    %dma_wait3A_72 = arith.constant 0 : i32
    %dma_wait3A_73 = tpu.memref_slice %arg7[%rem3A_62, %dma_wait3A_71, %dma_wait3A_72] : memref<3x64x128xf32, #tpu.memory_space<vmem>> -> memref<1x64x128xf32, #tpu.memory_space<vmem>>
    %dma_wait3A_74 = tpu.memref_squeeze %dma_wait3A_73 : memref<1x64x128xf32, #tpu.memory_space<vmem>> -> memref<64x128xf32, #tpu.memory_space<vmem>>
    %dma_wait3A_75 = arith.constant 0 : i32
    %dma_wait3A_76 = arith.constant 0 : i32
    %dma_wait3A_77 = tpu.memref_slice %arg3[%dma_wait3A_75, %dma_wait3A_76] : memref<10000x128xf32, #tpu.memory_space<hbm>> -> memref<64x128xf32, #tpu.memory_space<hbm>>
    tpu.wait_dma2 semaphore(%dma_wait3A_70 : memref<!tpu.dma_semaphore, #tpu.memory_space<semaphore_mem>>) src(%dma_wait3A_77 : memref<64x128xf32, #tpu.memory_space<hbm>>) dst(%dma_wait3A_74 : memref<64x128xf32, #tpu.memory_space<vmem>>)
    %barrier3A_78 = arith.constant 0 : index
    tpu.barrier barrier_id(%barrier3A_78)
    %lt3A_79 = arith.constant 15 : i32
    %lt3A_80 = arith.cmpi slt, %arg1, %lt3A_79 : i32
    %convert_element_type3A_81 = arith.extui %lt3A_80 : i1 to i32
    %cond3A_82 = arith.constant 0 : i32
    %cond3A_83 = arith.cmpi ne, %convert_element_type3A_81, %cond3A_82 : i32
    scf.if %cond3A_83 {
      %mul3A_89 = arith.constant 632 : i32
      %mul3A_90 = arith.muli %arg1, %mul3A_89 : i32
      %mul3A_91 = arith.constant 632 : i32
      %mul3A_92 = arith.muli %arg1, %mul3A_91 : i32
      "tpu.region"() ({
        %run_scoped3A = tpu.sem_alloc : memref<!tpu.dma_semaphore, #tpu.memory_space<semaphore_mem>>
        %dma_start3A_93 = arith.constant 0 : i32
        %dma_start3A_94 = tpu.memref_slice %arg5[%arg0, %mul3A_92, %dma_start3A_93] : memref<2x10000x128xf32, #tpu.memory_space<hbm>> -> memref<1x632x128xf32, #tpu.memory_space<hbm>>
        %dma_start3A_95 = tpu.memref_squeeze %dma_start3A_94 : memref<1x632x128xf32, #tpu.memory_space<hbm>> -> memref<632x128xf32, #tpu.memory_space<hbm>>
        %dma_start3A_96 = arith.constant 0 : i32
        %dma_start3A_97 = tpu.memref_slice %arg10[%mul3A_90, %dma_start3A_96] : memref<10000x128xf32, #tpu.memory_space<vmem_shared>> -> memref<632x128xf32, #tpu.memory_space<vmem_shared>>
        tpu.enqueue_dma source(%dma_start3A_97 : memref<632x128xf32, #tpu.memory_space<vmem_shared>>) target(%dma_start3A_95 : memref<632x128xf32, #tpu.memory_space<hbm>>) target_semaphore(%run_scoped3A : memref<!tpu.dma_semaphore, #tpu.memory_space<semaphore_mem>>)
        %dma_wait3A_98 = arith.constant 0 : i32
        %dma_wait3A_99 = tpu.memref_slice %arg5[%arg0, %mul3A_92, %dma_wait3A_98] : memref<2x10000x128xf32, #tpu.memory_space<hbm>> -> memref<1x632x128xf32, #tpu.memory_space<hbm>>
        %dma_wait3A_100 = tpu.memref_squeeze %dma_wait3A_99 : memref<1x632x128xf32, #tpu.memory_space<hbm>> -> memref<632x128xf32, #tpu.memory_space<hbm>>
        %dma_wait3A_101 = arith.constant 0 : i32
        %dma_wait3A_102 = tpu.memref_slice %arg10[%mul3A_90, %dma_wait3A_101] : memref<10000x128xf32, #tpu.memory_space<vmem_shared>> -> memref<632x128xf32, #tpu.memory_space<vmem_shared>>
        tpu.wait_dma2 semaphore(%run_scoped3A : memref<!tpu.dma_semaphore, #tpu.memory_space<semaphore_mem>>) src(%dma_wait3A_102 : memref<632x128xf32, #tpu.memory_space<vmem_shared>>) dst(%dma_wait3A_100 : memref<632x128xf32, #tpu.memory_space<hbm>>)
        tpu.yield
      }) : () -> ()
    } else {
    }
    %eq3A_84 = arith.constant 15 : i32
    %eq3A_85 = arith.cmpi eq, %arg1, %eq3A_84 : i32
    %convert_element_type3A_86 = arith.extui %eq3A_85 : i1 to i32
    %cond3A_87 = arith.constant 0 : i32
    %cond3A_88 = arith.cmpi ne, %convert_element_type3A_86, %cond3A_87 : i32
    scf.if %cond3A_88 {
      %mul3A_89 = arith.constant 632 : i32
      %mul3A_90 = arith.muli %arg1, %mul3A_89 : i32
      %mul3A_91 = arith.constant 632 : i32
      %mul3A_92 = arith.muli %arg1, %mul3A_91 : i32
      "tpu.region"() ({
        %run_scoped3A = tpu.sem_alloc : memref<!tpu.dma_semaphore, #tpu.memory_space<semaphore_mem>>
        %dma_start3A_93 = arith.constant 0 : i32
        %dma_start3A_94 = tpu.memref_slice %arg5[%arg0, %mul3A_92, %dma_start3A_93] : memref<2x10000x128xf32, #tpu.memory_space<hbm>> -> memref<1x520x128xf32, #tpu.memory_space<hbm>>
        %dma_start3A_95 = tpu.memref_squeeze %dma_start3A_94 : memref<1x520x128xf32, #tpu.memory_space<hbm>> -> memref<520x128xf32, #tpu.memory_space<hbm>>
        %dma_start3A_96 = arith.constant 0 : i32
        %dma_start3A_97 = tpu.memref_slice %arg10[%mul3A_90, %dma_start3A_96] : memref<10000x128xf32, #tpu.memory_space<vmem_shared>> -> memref<520x128xf32, #tpu.memory_space<vmem_shared>>
        tpu.enqueue_dma source(%dma_start3A_97 : memref<520x128xf32, #tpu.memory_space<vmem_shared>>) target(%dma_start3A_95 : memref<520x128xf32, #tpu.memory_space<hbm>>) target_semaphore(%run_scoped3A : memref<!tpu.dma_semaphore, #tpu.memory_space<semaphore_mem>>)
        %dma_wait3A_98 = arith.constant 0 : i32
        %dma_wait3A_99 = tpu.memref_slice %arg5[%arg0, %mul3A_92, %dma_wait3A_98] : memref<2x10000x128xf32, #tpu.memory_space<hbm>> -> memref<1x520x128xf32, #tpu.memory_space<hbm>>
        %dma_wait3A_100 = tpu.memref_squeeze %dma_wait3A_99 : memref<1x520x128xf32, #tpu.memory_space<hbm>> -> memref<520x128xf32, #tpu.memory_space<hbm>>
        %dma_wait3A_101 = arith.constant 0 : i32
        %dma_wait3A_102 = tpu.memref_slice %arg10[%mul3A_90, %dma_wait3A_101] : memref<10000x128xf32, #tpu.memory_space<vmem_shared>> -> memref<520x128xf32, #tpu.memory_space<vmem_shared>>
        tpu.wait_dma2 semaphore(%run_scoped3A : memref<!tpu.dma_semaphore, #tpu.memory_space<semaphore_mem>>) src(%dma_wait3A_102 : memref<520x128xf32, #tpu.memory_space<vmem_shared>>) dst(%dma_wait3A_100 : memref<520x128xf32, #tpu.memory_space<hbm>>)
        tpu.yield
      }) : () -> ()
    } else {
    }
    return
  }
}

module attributes {stable_mosaic.version = 14 : i64} {
  func.func @_gemm_body(%arg0: i32, %arg1: memref<2000x128xf32, #tpu.memory_space<vmem>>, %arg2: memref<128x128xf32, #tpu.memory_space<vmem>>, %arg3: memref<2000x128xf32, #tpu.memory_space<vmem>>, %arg4: memref<640x128xf32, #tpu.memory_space<vmem>>) attributes {dimension_semantics = [#tpu.dimension_semantics<arbitrary>], iteration_bounds = array<i64: 5>, scalar_prefetch = 0 : i64, scratch_operands = 0 : i64, tpu.core_type = #tpu.core_type<tc>, window_params = [{transform_indices = @transform_0, window_bounds = array<i64: 2000, 128>}, {pipeline_mode = #tpu.pipeline_mode<synchronous>, transform_indices = @transform_1, window_bounds = array<i64: 128, 128>}, {transform_indices = @transform_2, window_bounds = array<i64: 2000, 128>}, {pipeline_mode = #tpu.pipeline_mode<synchronous>, transform_indices = @transform_3, window_bounds = array<i64: 640, 128>}]} {
    %get3A = arith.constant 0 : index
    %get3A_0 = arith.constant 0 : index
    %get3A_1 = vector.load %arg1[%get3A, %get3A_0] : memref<2000x128xf32, #tpu.memory_space<vmem>>, vector<2000x128xf32>
    %get3A_2 = arith.constant 0 : index
    %get3A_3 = arith.constant 0 : index
    %get3A_4 = vector.load %arg2[%get3A_2, %get3A_3] : memref<128x128xf32, #tpu.memory_space<vmem>>, vector<128x128xf32>
    %dot_general3A = arith.constant dense<0.000000e+00> : vector<2000x128xf32>
    %dot_general3A_5 = tpu.matmul %get3A_1, %get3A_4, %dot_general3A {dimension_numbers = #tpu.dot_dimension_numbers<[1], [1], [0], [0], [0, 0, 1, 0], [], []>, transpose_lhs_hint = false} : vector<2000x128xf32>, vector<128x128xf32>, vector<2000x128xf32> -> vector<2000x128xf32>
    %swap3A = arith.constant 0 : index
    %swap3A_6 = arith.constant 0 : index
    %swap3A_7 = vector.load %arg3[%swap3A, %swap3A_6] : memref<2000x128xf32, #tpu.memory_space<vmem>>, vector<2000x128xf32>
    tpu.vector_store %arg3[%swap3A, %swap3A_6], %dot_general3A_5 {strides = array<i32>} : memref<2000x128xf32, #tpu.memory_space<vmem>>, vector<2000x128xf32>,
    %broadcast_in_dim3A = arith.constant 0.000000e+00 : f32
    %broadcast_in_dim3A_8 = vector.broadcast %broadcast_in_dim3A : f32 to vector<640x128xf32>
    %swap3A_9 = arith.constant 0 : index
    %swap3A_10 = arith.constant 0 : index
    %swap3A_11 = vector.load %arg4[%swap3A_9, %swap3A_10] : memref<640x128xf32, #tpu.memory_space<vmem>>, vector<640x128xf32>
    tpu.vector_store %arg4[%swap3A_9, %swap3A_10], %broadcast_in_dim3A_8 {strides = array<i32>} : memref<640x128xf32, #tpu.memory_space<vmem>>, vector<640x128xf32>,
    return
  }
  func.func @transform_0(%arg0: i32) -> (i32, i32) {
    %c0_i32 = arith.constant 0 : i32
    %c0_i32_0 = arith.constant 0 : i32
    return %arg0, %c0_i32 : i32, i32
  }
  func.func @transform_1(%arg0: i32) -> (i32, i32) {
    %c0_i32 = arith.constant 0 : i32
    %c0_i32_0 = arith.constant 0 : i32
    %c0_i32_1 = arith.constant 0 : i32
    return %c0_i32, %c0_i32_0 : i32, i32
  }
  func.func @transform_2(%arg0: i32) -> (i32, i32) {
    %c0_i32 = arith.constant 0 : i32
    %c0_i32_0 = arith.constant 0 : i32
    return %arg0, %c0_i32 : i32, i32
  }
  func.func @transform_3(%arg0: i32) -> (i32, i32) {
    %c0_i32 = arith.constant 0 : i32
    %c0_i32_0 = arith.constant 0 : i32
    %c0_i32_1 = arith.constant 0 : i32
    return %c0_i32, %c0_i32_0 : i32, i32
  }
}

module attributes {stable_mosaic.version = 14 : i64} {
  func.func @_add_body(%arg0: i32, %arg1: memref<2x2000x128xf32, #tpu.memory_space<vmem>>, %arg2: memref<2000x128xf32, #tpu.memory_space<vmem>>) attributes {dimension_semantics = [#tpu.dimension_semantics<arbitrary>], iteration_bounds = array<i64: 5>, scalar_prefetch = 0 : i64, scratch_operands = 0 : i64, tpu.core_type = #tpu.core_type<tc>, window_params = [{transform_indices = @transform_0, window_bounds = array<i64: 2, 2000, 128>}, {transform_indices = @transform_1, window_bounds = array<i64: 2000, 128>}]} {
    %get3A = arith.constant 0 : index
    %get3A_0 = arith.constant 0 : index
    %get3A_1 = arith.constant 0 : index
    %get3A_2 = vector.load %arg1[%get3A, %get3A_0, %get3A_1] : memref<2x2000x128xf32, #tpu.memory_space<vmem>>, vector<1x2000x128xf32>
    %get3A_3 = vector.shape_cast %get3A_2 : vector<1x2000x128xf32> to vector<2000x128xf32>
    %get3A_4 = arith.constant 1 : index
    %get3A_5 = arith.constant 0 : index
    %get3A_6 = arith.constant 0 : index
    %get3A_7 = vector.load %arg1[%get3A_4, %get3A_5, %get3A_6] : memref<2x2000x128xf32, #tpu.memory_space<vmem>>, vector<1x2000x128xf32>
    %get3A_8 = vector.shape_cast %get3A_7 : vector<1x2000x128xf32> to vector<2000x128xf32>
    %add3A = arith.addf %get3A_3, %get3A_8 : vector<2000x128xf32>
    %swap3A = arith.constant 0 : index
    %swap3A_9 = arith.constant 0 : index
    %swap3A_10 = vector.load %arg2[%swap3A, %swap3A_9] : memref<2000x128xf32, #tpu.memory_space<vmem>>, vector<2000x128xf32>
    tpu.vector_store %arg2[%swap3A, %swap3A_9], %add3A {strides = array<i32>} : memref<2000x128xf32, #tpu.memory_space<vmem>>, vector<2000x128xf32>,
    return
  }
  func.func @transform_0(%arg0: i32) -> (i32, i32, i32) {
    %c0_i32 = arith.constant 0 : i32
    %c0_i32_0 = arith.constant 0 : i32
    %c0_i32_1 = arith.constant 0 : i32
    return %c0_i32, %arg0, %c0_i32_0 : i32, i32, i32
  }
  func.func @transform_1(%arg0: i32) -> (i32, i32) {
    %c0_i32 = arith.constant 0 : i32
    %c0_i32_0 = arith.constant 0 : i32
    return %arg0, %c0_i32 : i32, i32
  }
}

</mosaic_0001>

<sc_bundles>
// kernel: kernel.5.cloned.1.call-start
scs
__scs_entry_jumppad:
0x0: {  	(pc) =	sbr.rel $0x88, $3  }
0x1: {  	(tag) =	ssettag $0x0;
	lr =	simm.s32 $0x1  }
0x2: {  	[smem:$0x3F9E] =	sst lr;
	_ =	strace $0xD0000000  }
0x3: {  	_ = 	snop  }
0x4: {  	_ = 	snop  }
0x5: {  	_ = 	snop  }
0x6: {  	_ = 	snop  }
0x7: {  	_ = 	snop  }
__scs_overlays_trampoline_lowered:
0x8: {  	[smem:$0x3FAD] =	sst s0  }
0x9: {  	[smem:$0x3FAE] =	sst s1  }
0xa: {  	[smem:$0x3FAF] =	sst s2  }
0xb: {  	[smem:$0x3FB0] =	sst s3  }
0xc: {  	[smem:$0x3FB1] =	sst s4  }
0xd: {  	[smem:$0x3FB2] =	sst s5  }
0xe: {  	[smem:$0x3FB3] =	sst s6  }
0xf: {  	[smem:$0x3FB4] =	sst s7  }
0x10: {  	[smem:$0x3FB5] =	sst s8  }
0x11: {  	[smem:$0x3FB6] =	sst s9;
	s0 =	simm.s32 @!p0 $0x0  }
0x12: {  	s1 =	sld [smem:$0x3F9C];
	s0 =	simm.s32 @p0 $0x1  }
0x13: {  	[smem:$0x3FB7] =	sst s0;
	s0 =	simm.s32 @!p1 $0x0  }
0x14: {  	s2 =	sld [smem:$0x3F9B];
	s0 =	simm.s32 @p1 $0x1  }
0x15: {  	[smem:$0x3FB8] =	sst s0;
	s0 =	simm.s32 @!p2 $0x0  }
0x16: {  	s3 =	sld [smem:$0x3FDB];
	s0 =	simm.s32 @p2 $0x1  }
0x17: {  	s4 =	simm.s32 $0x1BF5;
	[smem:$0x3FBA] =	sst s0  }
0x18: {  	s0 =	sld [smem:$0x3F9D];
	_ =	swait.ge [sflag:s4], $0x0  }
0x19: {  	s7 =	sld [smem:$0x3F9E]  }
0x1a: {  	s8 =	sadd.s32 $0xFFFFE003, lr  }
0x1b: {  	s9 =	sadd.s32 $0xFFFFFEF7, lr;
	s5 =	simm.s32 $0xFFFFFFFF;
	p2 =	slt.u32 s8, $0xFFFFF086  }
0x1c: {  	p1 =	slt.u32 s9, $0xF7A;
	s5 =	simm.s32 @!p2 $0x0  }
0x1d: {  	s5 =	simm.s32 @p1 $0x1;
	p0 =	seq.s32 s7, s2  }
0x1e: {  	s7 =	smul.u32 @!p0 $0xF7A, s2;
	p2 =	seq.s32 @!p0 s5, $0x0  }
0x1f: {  	s9 =	smul.u32 $0xF7A, s1;
	s8 =	simm.s32 @!p0 $0x1BF5;
	p2 =	por !p2, p0  }
0x20: {  	[sflag:s8] =	ssyncset.s32 @!p0 $0xFFFFF086;
	s6 =	sadd.s32 @!p0 s3, s7;
	s7 =	simm.s32 @!p0 $0x108  }
0x21: {  	s3 =	sadd.s32 s3, s9;
	s6 =	sadd.s32 @!p0 $0x88, s6;
	s7 =	simm.s32 @p2 $0x1082  }
0x22: {  	[simem:s7], [sflag:s8] =	dma.local @!p0 [hbm:s6], $0xF7A  }
0x23: {  	s9 =	sor.u32 $0xD0000000, s2;
	s6 =	simm.s32 $0x108;
	_ =	swait.ge @!p0 [sflag:s8], $0x0  }
0x24: {  	s3 =	sadd.s32 $0x88, s3;
	s6 =	simm.s32 @!p1 $0x1082;
	[sflag:s4] =	ssyncset.s32 $0xFFFFF086  }
0x25: {  	[simem:s6], [sflag:s4] =	dma.local [hbm:s3], $0xF7A  }
0x26: {  	[smem:$0x3F9E] =	sst s1;
	(tag) =	ssettag s2;
	_ =	strace s9  }
0x27: {  	s1 =	sld [smem:$0x3FAE]  }
0x28: {  	s2 =	sld [smem:$0x3FAF]  }
0x29: {  	s4 =	sld [smem:$0x3FB1]  }
0x2a: {  	p0 =	seq.s32 s5, $0x0;
	s5 =	sld [smem:$0x3FB2]  }
0x2b: {  	s6 =	sld [smem:$0x3FB3]  }
0x2c: {  	s7 =	sld [smem:$0x3FB4]  }
0x2d: {  	s3 =	simm.s32 $0x108;
	s8 =	sld [smem:$0x3FB5]  }
0x2e: {  	s3 =	simm.s32 @!p0 $0x1082;
	s9 =	sld [smem:$0x3FB6]  }
0x2f: {  	lr =	sadd.s32 s0, s3;
	s0 =	sld [smem:$0x3FAD]  }
0x30: {  	s3 =	sld [smem:$0x3FB0]  }
0x31: {  	[smem:$0x3FB9] =	sst s10  }
0x32: {  	s10 =	sld [smem:$0x3FB7];
	_ =	sdelay $0x3  }
0x33: {  	p0 =	seq.s32 s10, $0x1;
	s10 =	sld [smem:$0x3FB9];
	_ =	sdelay $0x3  }
0x34: {  	[smem:$0x3FB9] =	sst s10  }
0x35: {  	s10 =	sld [smem:$0x3FB8];
	_ =	sdelay $0x3  }
0x36: {  	p1 =	seq.s32 s10, $0x1;
	s10 =	sld [smem:$0x3FB9];
	_ =	sdelay $0x3  }
0x37: {  	[smem:$0x3FB9] =	sst s10  }
0x38: {  	s10 =	sld [smem:$0x3FBA]  }
0x39: {  	_ = 	snop;
	(pc) =	sbr.ind lr, $3  }
0x3a: {  	_ = 	snop  }
0x3b: {  	_ = 	snop  }
0x3c: {  	p2 =	seq.s32 s10, $0x1;
	s10 =	sld [smem:$0x3FB9]  }
0x3d: {  	_ =	shalt  }
0x3e: {  	_ =	shalt  }
0x3f: {  	_ =	shalt  }
0x40: {  	_ =	shalt  }
0x41: {  	_ =	shalt  }
0x42: {  	_ =	shalt  }
0x43: {  	_ =	shalt  }
0x44: {  	_ =	shalt  }
0x45: {  	_ =	shalt  }
0x46: {  	_ =	shalt  }
0x47: {  	_ =	shalt  }
0x48: {  	_ =	shalt  }
0x49: {  	_ =	shalt  }
0x4a: {  	_ =	shalt  }
0x4b: {  	_ =	shalt  }
0x4c: {  	_ =	shalt  }
0x4d: {  	_ =	shalt  }
0x4e: {  	_ =	shalt  }
0x4f: {  	_ =	shalt  }
0x50: {  	_ =	shalt  }
0x51: {  	_ =	shalt  }
0x52: {  	_ =	shalt  }
0x53: {  	_ =	shalt  }
0x54: {  	_ =	shalt  }
0x55: {  	_ =	shalt  }
0x56: {  	_ =	shalt  }
0x57: {  	_ =	shalt  }
0x58: {  	_ =	shalt  }
0x59: {  	_ =	shalt  }
0x5a: {  	_ =	shalt  }
0x5b: {  	_ =	shalt  }
0x5c: {  	_ =	shalt  }
0x5d: {  	_ =	shalt  }
0x5e: {  	_ =	shalt  }
0x5f: {  	_ =	shalt  }
0x60: {  	_ =	shalt  }
0x61: {  	_ =	shalt  }
0x62: {  	_ =	shalt  }
0x63: {  	_ =	shalt  }
0x64: {  	_ =	shalt  }
0x65: {  	_ =	shalt  }
0x66: {  	_ =	shalt  }
0x67: {  	_ =	shalt  }
0x68: {  	_ =	shalt  }
0x69: {  	_ =	shalt  }
0x6a: {  	_ =	shalt  }
0x6b: {  	_ =	shalt  }
0x6c: {  	_ =	shalt  }
0x6d: {  	_ =	shalt  }
0x6e: {  	_ =	shalt  }
0x6f: {  	_ =	shalt  }
0x70: {  	_ =	shalt  }
0x71: {  	_ =	shalt  }
0x72: {  	_ =	shalt  }
0x73: {  	_ =	shalt  }
0x74: {  	_ =	shalt  }
0x75: {  	_ =	shalt  }
0x76: {  	_ =	shalt  }
0x77: {  	_ =	shalt  }
0x78: {  	_ =	shalt  }
0x79: {  	_ =	shalt  }
0x7a: {  	_ =	shalt  }
0x7b: {  	_ =	shalt  }
0x7c: {  	_ =	shalt  }
0x7d: {  	_ =	shalt  }
0x7e: {  	_ =	shalt  }
0x7f: {  	_ =	shalt  }
0x80: {  	_ =	shalt  }
0x81: {  	_ =	shalt  }
0x82: {  	_ =	shalt  }
0x83: {  	_ =	shalt  }
0x84: {  	_ =	shalt  }
0x85: {  	_ =	shalt  }
0x86: {  	_ =	shalt  }
0x87: {  	_ =	shalt  }
.Lfunc_end0:
.L_simem_size_0:
called_computation_lowered:
.L_overlay_start_0:
0x88: {  	s2 =	sld [smem:$0x3FD9]  }
0x89: {  	s3 =	sld [smem:$0x3FFE];
	_ =	sdelay $0x1  }
0x8a: {  	s1 =	srdreg.scid  }
0x8b: {  	s0 =	sand.u32 $0x1, s1  }
0x8c: {  	s17 =	sshll.u32 s0, $0xA;
	s2 =	sadd.s32 s3, s2  }
0x8d: {  	s2 =	sadd.s32 s2, s17  }
0x8e: {  	[smem:$0x3FC5] =	sst s2  }
0x8f: {  	_ = 	snop  }
0x90: {  	s2 =	sld [smem:$0x3FC8]  }
0x91: {  	s18 =	sld [smem:$0x3FD0];
	(tm) =	ssettm $0x1  }
0x92: {  	s4 =	sld [smem:$0x3FFB];
	_ =	sdelay $0x3  }
0x93: {  	_ =	strace s4  }
0x94: {  	s4 =	sld [smem:$0x3FFC];
	_ =	sdelay $0x3  }
0x95: {  	_ =	strace s4  }
0x96: {  	s4 =	sld [smem:$0x3FFD];
	_ =	sdelay $0x3  }
0x97: {  	_ =	strace s4  }
0x98: {  	_ =	strace $0x8FFFFFFF  }
0x99: {  	s19 =	sld [smem:$0x3FDB];
	_ =	sdelay $0x1  }
0x9a: {  	s5 =	simm.s32 $_scs_section_size  }
0x9b: {  	s6 =	simm.s32 $_size__tile_overlayer_lowered;
	s7 =	simm.s32 $_tile_overlayer_lowered  }
0x9c: {  	s22 =	simm.s32 $0x1BFF;
	s21 =	sshll.u32 s7, $0x1;
	s4 =	sadd.s32 s5, s19  }
0x9d: {  	s8 =	simm.s32 $0x0;
	s20 =	sshll.u32 s6, $0x1;
	s6 =	sadd.s32 s21, s4  }
0x9e: {  	[timem:s8], [sflag:s22] =	dma.local [hbm:s6], s20  }
0x9f: {  	_ =	swait.ge [sflag:s22], s20  }
0xa0: {  	s5 =	ssub.s32 $0x0, s20;
	[sflag:s22] =	ssyncset.done $0x0  }
0xa1: {  	[sflag:s22] =	ssyncadd.s32 s5;
	_ =	sdelay $0x1  }
0xa2: {  	s23 =	simm.s32 $0x1B8B  }
0xa3: {  	_ =	swait.ge [sflag:s23], $0x1  }
0xa4: {  	[sflag:s23] =	ssyncset.done $0x0  }
0xa5: {  	s25 =	simm.s32 $0x1B8E;
	s24 =	sld [smem:$0x3FFE];
	[sflag:s23] =	ssyncadd.s32 $0xFFFFFFFF  }
0xa6: {  	s26 =	simm.s32 $execute0_lowered;
	[smem:$0x3FD2] =	sst s25  }
0xa7: {  	s6 =	sshll.u32 s26, $0x1;
	_ =	strace $0x80000046;
	[dreg:$0x1] =	wrdreg $0xFFFFFFFF  }
0xa8: {  	s28 =	simm.s32 $_size_execute0_lowered;
	s4 =	sadd.s32 s4, s6;
	[dreg:$0x0] =	wrdreg $0x0  }
0xa9: {  	s6 =	sshll.u32 s28, $0x1;
	[dreg:$0x2] =	wrdreg s4  }
0xaa: {  	[dreg:$0x3] =	wrdreg s6  }
0xab: {  	[dreg:$0x4] =	wrdreg $0xC0  }
0xac: {  	_ =	task [dreg:s8], $0x5FFFF  }
0xad: {  	[dreg:$0x1] =	wrdreg $0xFFFFFFFF  }
0xae: {  	[dreg:$0x0] =	wrdreg $0x60  }
0xaf: {  	[dreg:$0x2] =	wrdreg s2  }
0xb0: {  	[dreg:$0x3] =	wrdreg s18  }
0xb1: {  	[dreg:$0x4] =	wrdreg s24  }
0xb2: {  	[dreg:$0x5] =	wrdreg $0xAF000  }
0xb3: {  	[dreg:$0x6] =	wrdreg $0x9  }
0xb4: {  	_ =	task.clear_ibuf [dreg:s8], $0x7FFFF;
	_ =	strace $0x90000046  }
0xb5: {  	s29 =	simm.s32 $0x9;
	_ =	strace $0x80000048  }
0xb6: {  	_ =	swait.ge [sflag:s29], $0x1  }
0xb7: {  	[sflag:s29] =	ssyncadd.s32 $0xFFFFFFFF  }
0xb8: {  	_ =	strace $0x90000048  }
0xb9: {  	_ =	sfence  }
0xba: {  	s30 =	sld [smem:$0x0];
	_ =	sdelay $0x2  }
0xbb: {  	s31 =	sshll.u32 s1, $0xD;
	s1 =	sshrl.u32 s1, $0x2  }
0xbc: {  	s3 =	sand.u32 $0x4000, s31;
	s1 =	sadd.s32 s1, s30  }
0xbd: {  	s0 =	sor.u32 s3, s0;
	s1 =	sshll.u32 s1, $0x11  }
0xbe: {  	s0 =	sor.u32 s1, s0  }
0xbf: {  	s0 =	sadd.s32 $0x8F2B, s0  }
0xc0: {  	[sflag:s0] =	ssyncadd.remote.s32 $0x1  }
0xc1: {  	_ =	sfence.sel $0xFFFF  }
0xc2: {  	[dreg:$0x0] =	wrdreg $0xFFFFFFFF;
	(pc) =	sbr.abs _section_cstart, $3  }
0xc3: {  	[dreg:$0x1] =	wrdreg $0xFFFFFFFF  }
0xc4: {  	_ =	task.clear_ibuf [dreg:s8], $0x2FFFF;
	_ =	strace $0x9FFFFFFF  }
0xc5: {  	(tm) =	ssettm $0x7FFFFFFF  }
tec
execute0_lowered:
.L_overlay_start_1:
0x0: {  	(tag) =	ssettag $0x1  }
0x1: {  	s8 =	rddreg [dreg:$0x0]  }
0x2: {  	s9 =	rddreg [dreg:$0x2]  }
0x3: {  	s0 =	srdreg.scid;
	s3 =	simm.s32 $0x66;
	s4 =	rddreg [dreg:$0x3]  }
0x4: {  	s2 =	simm.s32 $0x0;
	s19 =	simm.s32 $0x100;
	s20 =	simm.s32 $0x8F00  }
0x5: {  	s21 =	simm.s32 $0x1;
	s22 =	simm.s32 $0x40;
	s23 =	simm.s32 $0x0  }
0x6: {  	s7 =	sand.u32 $0x1, s0;
	s0 =	stileid.u32;
	[smem:$0x7FF] =	sst s2  }
0x7: {  	s15 =	sadd.s32 $0x3800, s9;
	s18 =	sadd.s32 $0x128400, s4;
	s13 =	smul.u32 $0x4F000, s0  }
0x8: {  	s1 =	sshll.u32 s7, $0x4;
	s14 =	ssub.s32 $0x2, s7;
	s16 =	smul.u32 $0x138800, s7  }
0x9: {  	s28 =	smul.u32 $0x13C00, s0;
	p1 =	seq.s32 s0, $0xF;
	s6 =	sor.u32 s0, s1  }
0xa: {  	s1 =	rddreg [dreg:$0x1];
	_ =	strace $0x80000047;
	p0 =	seq.s32 s6, $0x1F  }
0xb: {  	s25 =	sshrl.u32 s14, $0x1;
	s12 =	smul.u32 $0x9E0, s6;
	s3 =	simm.s32 @!p0 $0x9E  }
0xc: {  	s6 =	sadd.s32 $0x1000, s9;
	s14 =	ssub.s32 s14, s25;
	s10 =	sadd.s32 $0xFFFFFFFF, s3  }
0xd: {  	s26 =	sshrl.u32 s13, $0x2;
	s30 =	sadd.s32 s28, s16;
	s11 =	smul.u32 $0xAB, s10  }
0xe: {  	s31 =	sshrl.u32 s16, $0x3;
	s17 =	sadd.s32 s26, s4;
	s7 =	sadd.s32 s8, s12  }
0xf: {  	s8 =	sadd.s32 $0x13220, s8;
	s12 =	smax.u32 s14, $0x1;
	s11 =	sshrl.u32 s11, $0x9  }
0x10: {  	s13 =	sshll.u32 s3, $0x6;
	s14 =	sshrl.u32 @p1 s18, $0x3;
	s11 =	smul.u32 $0x3, s11  }
0x11: {  	s16 =	sshrl.u32 @!p1 s17, $0x3;
	s17 =	simm.s32 $0x4F00;
	s18 =	simm.s32 $0x6F00  }
0x12: {  	s29 =	ssub.s32 s10, s11;
	s10 =	sshrl.u32 s30, $0x3;
	s11 =	sadd.s32 s15, s31  }
0x13: {  	s9 =	sor.u32 $0x4, s29;
	s10 =	sadd.s32 s15, s10;
	s15 =	sshll.u32 @!p1 s0, $0x6  }
0x14: {  	s11 =	sadd.s32 $0x25080, s11;
	s9 =	sand.u32 $0xFF, s9;
	s15 =	sor.u32 @!p1 $0x1C07, s15  }
.LBB2_1:
0x15: {  	s24 =	simm.s32 @p0 $0x0  }
0x16: {  	[tilespmem:s24], [sflag:$0x7] =	stream.linear.gather @p0 [hbm4b:s8+s24], $0x3300, $0x38;
	[tilespmem:$0x1E780] =	vst v63  }
0x17: {  	s24 =	simm.s32 @p0 $0x7  }
0x18: {  	_ =	swait.ge @p0 [sflag:s24], $0x3300  }
0x19: {  	[sflag:s24] =	ssyncset.done @p0 $0x0  }
0x1a: {  	[sflag:s24] =	ssyncadd.s32 @p0 $0xFFFFCD00;
	s24 =	simm.s32 @!p0 $0x0  }
0x1b: {  	[tilespmem:s24], [sflag:$0x7] =	stream.linear.gather @!p0 [hbm4b:s7+s24], $0x4F00, $0x38;
	[tilespmem:$0x1E780] =	vst v63  }
0x1c: {  	s24 =	simm.s32 @!p0 $0x7  }
0x1d: {  	_ =	swait.ge @!p0 [sflag:s24], $0x4F00  }
0x1e: {  	[sflag:s24] =	ssyncset.done @!p0 $0x0  }
0x1f: {  	[sflag:s24] =	ssyncadd.s32 @!p0 $0xFFFFB100;
	s24 =	simm.s32 @p1 $0x1FC7  }
0x20: {  	[spmem:s14], [sflag:s24] =	dma.local @p1 [hbm:s6], $0x2080  }
0x21: {  	s24 =	simm.s32 @p1 $0x7  }
0x22: {  	_ =	swait.ge @p1 [sflag:s24], $0x2080  }
0x23: {  	[sflag:s24] =	ssyncset.done @p1 $0x0  }
0x24: {  	[sflag:s24] =	ssyncadd.s32 @p1 $0xFFFFDF80;
	s24 =	simm.s32 @!p1 $0x7  }
0x25: {  	[spmem:s16], [sflag:s15] =	dma.local @!p1 [hbm:s6], $0x2780  }
0x26: {  	_ =	swait.ge @!p1 [sflag:s24], $0x2780  }
0x27: {  	[sflag:s24] =	ssyncset.done @!p1 $0x0  }
0x28: {  	[sflag:s24] =	ssyncadd.s32 @!p1 $0xFFFFD880  }
0x29: {  	s0 =	simm.s32 $0x0;
	[bflag:$0x0] =	sbarrier.arrive $0xFFFF  }
0x2a: {  	[tilespmem:s17], [sflag:$0x1] =	stream.indirect.gather [hbm4b:s1+s22], $0x80, s0, s22, $0xb8;
	[tilespmem:$0x1E780] =	vst v63  }
0x2b: {  	_ = 	snop  }
0x2c: {  	[tilespmem:s18], [sflag:$0x2] =	stream.indirect.gather [hbm4b:s1+s22], $0x80, s22, s22, $0xb8;
	[tilespmem:$0x1E780] =	vst v63  }
0x2d: {  	p2 =	por $0x1, $0x1  }
0x2e: {  	[tilespmem:s20], [sflag:$0x3] =	stream.indirect.gather [hbm4b:s1+s22], $0x80, s19, s22, $0xb8;
	[tilespmem:$0x1E780] =	vst v63  }
0x2f: {  	s25 =	simm.s32 $0x180;
	s26 =	simm.s32 $0x3;
	_ =	swait.ge [sflag:s21], $0x2000  }
0x30: {  	s28 =	simm.s32 $0x40;
	s30 =	simm.s32 $0x0;
	[sflag:s21] =	ssyncset.done $0x0  }
0x31: {  	s29 =	simm.s32 $0x1;
	s24 =	simm.s32 $0x80;
	[sflag:s21] =	ssyncadd.s32 $0xFFFFE000  }
0x32: {  	[spmem:s4] =	stream.indirect.scatter.add.f32 [tilespmem:s17], [sflag:$0x4], $0x80, s24, s22, $0xb8;
	[tilespmem:$0x1E780] =	vst v63  }
.LBB2_2:
0x33: {  	s31 =	sadd.s32 $0x4, s30;
	p3 =	sge.u32 s26, s3  }
0x34: {  	_ =	swait.ge [sflag:s31], $0x2000;
	s2 =	sshll.u32 @!p3 s30, $0xF  }
0x35: {  	s5 =	sand.u32 @!p3 $0x7FFFFF00, s25;
	s30 =	sadd.s32 @!p3 $0x1, s30;
	[sflag:s31] =	ssyncset.done $0x0  }
0x36: {  	s2 =	sshra.s32 @!p3 s2, $0x2;
	[sflag:s31] =	ssyncadd.s32 $0xFFFFE000;
	s31 =	sand.u32 @!p3 $0x40, s28  }
0x37: {  	s2 =	sadd.s32 @!p3 $0x4F00, s2;
	s5 =	sor.u32 @!p3 s31, s5;
	s31 =	simm.s32 @!p3 $0x40  }
0x38: {  	[tilespmem:s2], [sflag:s30] =	stream.indirect.gather @!p3 [hbm4b:s1+s31], $0x80, s5, s31, $0xb8;
	[tilespmem:$0x1E780] =	vst v63  }
0x39: {  	s0 =	simm.s32 $0x1;
	s26 =	sadd.s32 $0x1, s26;
	s5 =	sadd.s32 $0x1, s29  }
0x3a: {  	s0 =	simm.s32 @!p2 $0x0;
	p2 =	por !p2, !p2;
	_ =	swait.ge [sflag:s5], $0x2000  }
0x3b: {  	s28 =	sadd.s32 $0x40, s28;
	p3 =	seq.s32 s29, $0x2;
	[sflag:s5] =	ssyncset.done $0x0  }
0x3c: {  	[sflag:s5] =	ssyncadd.s32 $0xFFFFE000;
	s5 =	simm.s32 @p3 $0x0;
	p3 =	sne.s32 s13, s28  }
.Ltmp0:
0x3d: {  	s0 =	sshll.u32 s0, $0x6;
	s31 =	sshll.u32 s29, $0xF;
	(pc) =	sbr.rel @p3 .LBB2_2-.Ltmp0, $4  }
0x3e: {  	s25 =	sadd.s32 $0x80, s25;
	s0 =	sadd.s32 s0, s24;
	s2 =	sshra.s32 s31, $0x2  }
0x3f: {  	s0 =	sor.u32 $0x80, s0;
	s30 =	sadd.s32 $0x4, s29;
	s2 =	sadd.s32 $0x4F00, s2  }
0x40: {  	[spmem:s4] =	stream.indirect.scatter.add.f32 [tilespmem:s2], [sflag:s30], $0x80, s0, s22, $0xb8;
	[tilespmem:$0x1E780] =	vst v63  }
0x41: {  	s24 =	sadd.s32 $0x80, s24;
	s30 =	smov.u32 s29;
	s29 =	smov.u32 s5  }
0x42: {  	_ =	swait.ge [sflag:s9], $0x2000  }
0x43: {  	[sflag:s9] =	ssyncset.done $0x0  }
0x44: {  	[sflag:s9] =	ssyncadd.s32 $0xFFFFE000  }
0x45: {  	s0 =	simm.s32 @p1 $0x1FC7;
	[bflag:$0x0] =	sbarrier.arrive $0xFFFF  }
0x46: {  	[hbm:s11], [sflag:s0] =	dma.local @p1 [spmem:s14], $0x2080  }
0x47: {  	s0 =	simm.s32 @p1 $0x7  }
0x48: {  	s23 =	sadd.s32 $0x1, s23;
	_ =	swait.ge @p1 [sflag:s0], $0x2080  }
0x49: {  	p2 =	sne.s32 s23, s12;
	[sflag:s0] =	ssyncset.done @p1 $0x0  }
.Ltmp1:
0x4a: {  	[sflag:s0] =	ssyncadd.s32 @p1 $0xFFFFDF80;
	s0 =	simm.s32 @!p1 $0x7;
	(pc) =	sbr.rel @p2 .LBB2_1-.Ltmp1, $4  }
0x4b: {  	[hbm:s10], [sflag:s15] =	dma.local @!p1 [spmem:s16], $0x2780  }
0x4c: {  	_ =	swait.ge @!p1 [sflag:s0], $0x2780  }
0x4d: {  	[sflag:s0] =	ssyncset.done @!p1 $0x0  }
0x4e: {  	[sflag:s0] =	ssyncadd.s32 @!p1 $0xFFFFD880  }
0x4f: {  	_ =	sfence.sel $0x180000  }
0x50: {  	[bflag:$0x0] =	sbarrier.arrive $0xFFFF  }
0x51: {  	_ =	strace $0x90000047  }
0x52: {  	s0 =	stileid.u32;
	[bflag:$0x2] =	sbarrier.arrive $0xFFFF  }
0x53: {  	p0 =	sne.s32 s0, $0x0;
	s0 =	rddreg [dreg:$0x4]  }
0x54: {  	s0 =	sadd.s32 @!p0 $0x100000, s0  }
0x55: {  	[sflag:s0] =	ssyncadd.tile.s32 @!p0 $0x1;
	_ =	shalt  }
.Lfunc_end2:
_tile_overlayer_lowered:
.L_overlay_start_2:
0x56: {  	(tag) =	ssettag $0x2  }
0x57: {  	s0 =	rddreg [dreg:$0x0];
	s2 =	stileid.u32  }
0x58: {  	s1 =	rddreg [dreg:$0x1];
	p0 =	sne.s32 s2, $0x0  }
0x59: {  	s3 =	rddreg [dreg:$0x2];
	[bflag:$0x3] =	sbarrier.arrive $0xFFFF;
	s2 =	simm.s32 @!p0 $0x1C07  }
0x5a: {  	[timem:s3], [sflag:s2] =	dma.local @!p0 [hbm:s0], s1  }
0x5b: {  	s0 =	simm.s32 @!p0 $0x7  }
0x5c: {  	_ =	swait.ge @!p0 [sflag:s0], s1  }
0x5d: {  	s1 =	ssub.s32 @!p0 $0x0, s1;
	[sflag:s0] =	ssyncset.done @!p0 $0x0  }
0x5e: {  	[sflag:s0] =	ssyncadd.s32 @!p0 s1  }
0x5f: {  	[bflag:$0x3] =	sbarrier.arrive $0xFFFF  }
0x60: {  	_ =	shalt  }

</sc_bundles>
